<compile_context>
chip_gen: v7x
topology: tpu7x:2x2x1
jax: 0.10.2.dev20260603
libtpu: 0.0.44.dev20260713+nightly
codegen_flags: <defaults>
</compile_context>

<pallas_src>
import jax
import jax.numpy as jnp
from jax import lax
from jax.experimental import pallas as pl
from jax.experimental.pallas import tpu as pltpu
from jax.experimental.pallas import tpu_sc as plsc

V = 1024
N = 32768
D = 256

BN = 4096
NT = 20480
NSC = N - NT

NC = 2
NS = 16
DC = D // NC
BLK = 128
ROWS_PER_TILE = NSC // NS
NBLK = ROWS_PER_TILE // BLK
NBUF = min(4, NBLK)
IDX_ROWS = N // BLK


def _sc_body(h_hbm, idx_hbm, z_hbm, out_hbm, *refs):
    bufs = list(refs[0:NBUF])
    idx2, acc = refs[NBUF], refs[NBUF + 1]
    gsem = list(refs[NBUF + 2:NBUF + 2 + NBUF])
    ssem = list(refs[NBUF + 2 + NBUF:NBUF + 2 + 2 * NBUF])

    c = lax.axis_index("c")
    s = lax.axis_index("s")
    row0 = NT + s * ROWS_PER_TILE
    col0 = c * DC
    rpt = V // NS

    pltpu.sync_copy(z_hbm, acc.at[pl.ds(s * rpt, rpt)])
    start = NT // BLK + s * NBLK
    win = (start // 8) * 8
    delta = start - win
    pltpu.sync_copy(idx_hbm.at[pl.ds(win, 16)], idx2)

    def gather(b):
        return pltpu.async_copy(
            h_hbm.at[pl.ds(row0 + b * BLK, BLK), pl.ds(col0, DC)],
            bufs[b % NBUF],
            gsem[b % NBUF],
        )

    gath = [None] * NBLK
    scat = [None] * NBLK
    for b in range(min(2, NBLK)):
        gath[b] = gather(b)

    plsc.subcore_barrier()

    for b in range(NBLK):
        nb = b + 2
        if nb < NBLK:
            if nb - NBUF >= 0:
                scat[nb - NBUF].wait()
            gath[nb] = gather(nb)
        gath[b].wait()
        scat[b] = pltpu.async_copy(
            bufs[b % NBUF], acc.at[idx2.at[delta + b]], ssem[b % NBUF], add=True
        )
    for b in range(max(0, NBLK - NBUF), NBLK):
        scat[b].wait()

    plsc.subcore_barrier()

    pltpu.sync_copy(
        acc.at[pl.ds(s * rpt, rpt)],
        out_hbm.at[pl.ds(s * rpt, rpt), pl.ds(col0, DC)],
    )


def _sc_aggr(H, idx2d, zeros):
    mesh = plsc.VectorSubcoreMesh(core_axis_name="c", subcore_axis_name="s")
    f = pl.kernel(
        _sc_body,
        out_type=jax.ShapeDtypeStruct((V, D), jnp.float32),
        mesh=mesh,
        scratch_types=(
            [pltpu.VMEM((BLK, DC), jnp.float32) for _ in range(NBUF)]
            + [
                pltpu.VMEM((16, BLK), jnp.int32),
                pltpu.VMEM_SHARED((V, DC), jnp.float32),
            ]
            + [pltpu.SemaphoreType.DMA for _ in range(2 * NBUF)]
        ),
    )
    return f(H, idx2d, zeros)


def _mm_body(idx_ref, h_ref, o_ref):
    i = pl.program_id(0)

    @pl.when(i == 0)
    def _():
        o_ref[...] = jnp.zeros_like(o_ref)

    idx = idx_ref[0, 0, :].astype(jnp.int16)
    iota = lax.broadcasted_iota(jnp.int16, (V, BN), 0)
    mask = jnp.where(
        iota == idx[None, :], jnp.bfloat16(1.0), jnp.bfloat16(0.0)
    )
    o_ref[...] += jnp.dot(
        mask, h_ref[...].astype(jnp.bfloat16), preferred_element_type=jnp.float32
    )


def _tc_matmul(H, idx3):
    return pl.pallas_call(
        _mm_body,
        grid=(NT // BN,),
        in_specs=[
            pl.BlockSpec((1, 1, BN), lambda i: (i, 0, 0)),
            pl.BlockSpec((BN, D), lambda i: (i, 0)),
        ],
        out_specs=pl.BlockSpec((V, D), lambda i: (0, 0)),
        out_shape=jax.ShapeDtypeStruct((V, D), jnp.float32),
        compiler_params=pltpu.CompilerParams(
            dimension_semantics=("arbitrary",),
        ),
    )(idx3, H)


def _add_body(a_ref, b_ref, o_ref):
    o_ref[...] = a_ref[...] + b_ref[...]


def _add(a, b):
    return pl.pallas_call(
        _add_body,
        out_shape=jax.ShapeDtypeStruct((V, D), jnp.float32),
    )(a, b)


@jax.jit
def kernel(H, X_node):
    idx2d = jnp.pad(X_node.reshape(IDX_ROWS, BLK), ((0, 8), (0, 0)))
    idx3 = X_node.reshape(N // BN, 1, BN)
    zeros = jnp.zeros((V // NS, DC), jnp.float32)
    sc_part = _sc_aggr(H, idx2d, zeros)
    tc_part = _tc_matmul(H, idx3)
    return _add(tc_part, sc_part)

# --- scband reference (transcript-rebuilt; emitter-appended) ---
"""Pipeline reference for scband-aggr-sum-38560216383546 (READ-ONLY COPY).

The authoritative reference and input builder live on the scoring server;
editing this copy changes nothing except your own understanding.
"""

import jax, jax.numpy as jnp
import numpy as np

V = 1024  # node_num
N = 32768  # number of items being aggregated (e.g., edges/messages)
D = 256   # feature dim


def setup_inputs(seed: int = 0) -> dict:
    key = jax.random.key(seed)
    k1, k2 = jax.random.split(key)
    H = jax.random.normal(k1, (N, D), dtype=jnp.float32)
    X_node = jax.random.randint(k2, (N,), 0, V, dtype=jnp.int32)
    return {"H": H, "X_node": X_node}


def reference(H, X_node):
    # Faithful translation of AggrSum.forward:
    # mask = stack([X_node] * V, 0)  -> [V, N]
    mask = jnp.tile(X_node[None, :].astype(jnp.float32), (V, 1))
    # mask = mask - arange(V).unsqueeze(1)
    mask = mask - jnp.arange(0, V, dtype=jnp.float32)[:, None]
    # mask = (mask == 0).float()  -> one-hot segment membership matrix
    mask = (mask == 0).astype(jnp.float32)
    # return mask @ H  -> segment-sum of H rows into V node buckets
    return jnp.matmul(mask, H)

if __name__ == "__main__":
    import jax
    _d = setup_inputs()
    print(jax.jit(kernel)(*tuple(_d.values())))

</pallas_src>

<mosaic_0001>
#map = affine_map<(d0, d1) -> (0, 0)>
module attributes {stable_mosaic.version = 14 : i64} {
  func.func @_sc_body(%arg0: i32, %arg1: i32, %arg2: memref<32768x256xf32, #tpu.memory_space<hbm>>, %arg3: memref<264x128xi32, #tpu.memory_space<hbm>>, %arg4: memref<64x128xf32, #tpu.memory_space<hbm>>, %arg5: memref<1024x256xf32, #tpu.memory_space<hbm>>, %arg6: memref<128x128xf32, #tpu.memory_space<vmem>>, %arg7: memref<128x128xf32, #tpu.memory_space<vmem>>, %arg8: memref<128x128xf32, #tpu.memory_space<vmem>>, %arg9: memref<128x128xf32, #tpu.memory_space<vmem>>, %arg10: memref<16x128xi32, #tpu.memory_space<vmem>>, %arg11: memref<1024x128xf32, #tpu.memory_space<vmem_shared>>, %arg12: memref<!tpu.dma_semaphore, #tpu.memory_space<semaphore_mem>>, %arg13: memref<!tpu.dma_semaphore, #tpu.memory_space<semaphore_mem>>, %arg14: memref<!tpu.dma_semaphore, #tpu.memory_space<semaphore_mem>>, %arg15: memref<!tpu.dma_semaphore, #tpu.memory_space<semaphore_mem>>, %arg16: memref<!tpu.dma_semaphore, #tpu.memory_space<semaphore_mem>>, %arg17: memref<!tpu.dma_semaphore, #tpu.memory_space<semaphore_mem>>, %arg18: memref<!tpu.dma_semaphore, #tpu.memory_space<semaphore_mem>>, %arg19: memref<!tpu.dma_semaphore, #tpu.memory_space<semaphore_mem>>) attributes {dimension_semantics = [#tpu.dimension_semantics<core_parallel>, #tpu.dimension_semantics<subcore_parallel>], iteration_bounds = array<i64: 2, 16>, scalar_prefetch = 0 : i64, scratch_operands = 14 : i64, tpu.core_type = #tpu.core_type<sc_vector_subcore>, window_params = [{transform_indices = #map}, {transform_indices = #map}, {transform_indices = #map}, {transform_indices = #map}]} {
    %mul3A = arith.constant 768 : i32
    %mul3A_0 = arith.muli %arg1, %mul3A : i32
    %add3A = arith.constant 20480 : i32
    %add3A_1 = arith.addi %add3A, %mul3A_0 : i32
    %mul3A_2 = arith.constant 128 : i32
    %mul3A_3 = arith.muli %arg0, %mul3A_2 : i32
    %mul3A_4 = arith.constant 64 : i32
    %mul3A_5 = arith.muli %arg1, %mul3A_4 : i32
    "tpu.region"() ({
      %run_scoped3A = tpu.sem_alloc : memref<!tpu.dma_semaphore, #tpu.memory_space<semaphore_mem>>
      %dma_start3A_152 = arith.constant 0 : i32
      %dma_start3A_153 = tpu.memref_slice %arg11[%mul3A_5, %dma_start3A_152] : memref<1024x128xf32, #tpu.memory_space<vmem_shared>> -> memref<64x128xf32, #tpu.memory_space<vmem_shared>>
      tpu.enqueue_dma source(%arg4 : memref<64x128xf32, #tpu.memory_space<hbm>>) target(%dma_start3A_153 : memref<64x128xf32, #tpu.memory_space<vmem_shared>>) target_semaphore(%run_scoped3A : memref<!tpu.dma_semaphore, #tpu.memory_space<semaphore_mem>>)
      %dma_wait3A_154 = arith.constant 0 : i32
      %dma_wait3A_155 = tpu.memref_slice %arg11[%mul3A_5, %dma_wait3A_154] : memref<1024x128xf32, #tpu.memory_space<vmem_shared>> -> memref<64x128xf32, #tpu.memory_space<vmem_shared>>
      tpu.wait_dma2 semaphore(%run_scoped3A : memref<!tpu.dma_semaphore, #tpu.memory_space<semaphore_mem>>) src(%arg4 : memref<64x128xf32, #tpu.memory_space<hbm>>) dst(%dma_wait3A_155 : memref<64x128xf32, #tpu.memory_space<vmem_shared>>)
      tpu.yield
    }) : () -> ()
    %mul3A_6 = arith.constant 6 : i32
    %mul3A_7 = arith.muli %arg1, %mul3A_6 : i32
    %add3A_8 = arith.constant 160 : i32
    %add3A_9 = arith.addi %add3A_8, %mul3A_7 : i32
    %jit3A = arith.constant 8 : i32
    %div3A = arith.divsi %add3A_9, %jit3A : i32
    %sign3A = arith.constant 0 : i32
    %sign3A_10 = arith.cmpi sgt, %add3A_9, %sign3A : i32
    %sign3A_11 = arith.extui %sign3A_10 : i1 to i32
    %sign3A_12 = arith.constant 0 : i32
    %sign3A_13 = arith.cmpi slt, %add3A_9, %sign3A_12 : i32
    %sign3A_14 = arith.extui %sign3A_13 : i1 to i32
    %sign3A_15 = arith.subi %sign3A_11, %sign3A_14 : i32
    %sign3A_16 = arith.constant 0 : i32
    %sign3A_17 = arith.cmpi sgt, %jit3A, %sign3A_16 : i32
    %sign3A_18 = arith.extui %sign3A_17 : i1 to i32
    %sign3A_19 = arith.constant 0 : i32
    %sign3A_20 = arith.cmpi slt, %jit3A, %sign3A_19 : i32
    %sign3A_21 = arith.extui %sign3A_20 : i1 to i32
    %sign3A_22 = arith.subi %sign3A_18, %sign3A_21 : i32
    %ne3A = arith.cmpi ne, %sign3A_15, %sign3A_22 : i32
    %rem3A = arith.remsi %add3A_9, %jit3A : i32
    %ne3A_23 = arith.constant 0 : i32
    %ne3A_24 = arith.cmpi ne, %rem3A, %ne3A_23 : i32
    %and3A = arith.andi %ne3A, %ne3A_24 : i1
    %sub3A = arith.constant 1 : i32
    %sub3A_25 = arith.subi %div3A, %sub3A : i32
    %select_n3A = arith.select %and3A, %sub3A_25, %div3A : i32
    %mul3A_26 = arith.constant 8 : i32
    %mul3A_27 = arith.muli %select_n3A, %mul3A_26 : i32
    %sub3A_28 = arith.subi %add3A_9, %mul3A_27 : i32
    "tpu.region"() ({
      %run_scoped3A = tpu.sem_alloc : memref<!tpu.dma_semaphore, #tpu.memory_space<semaphore_mem>>
      %dma_start3A_152 = arith.constant 0 : i32
      %dma_start3A_153 = tpu.memref_slice %arg3[%mul3A_27, %dma_start3A_152] : memref<264x128xi32, #tpu.memory_space<hbm>> -> memref<16x128xi32, #tpu.memory_space<hbm>>
      %dma_start3A_154 = arith.constant 0 : i32
      %dma_start3A_155 = tpu.memref_slice %arg3[%mul3A_27, %dma_start3A_154] : memref<264x128xi32, #tpu.memory_space<hbm>> -> memref<16x128xi32, #tpu.memory_space<hbm>>
      tpu.enqueue_dma source(%dma_start3A_155 : memref<16x128xi32, #tpu.memory_space<hbm>>) target(%arg10 : memref<16x128xi32, #tpu.memory_space<vmem>>) target_semaphore(%run_scoped3A : memref<!tpu.dma_semaphore, #tpu.memory_space<semaphore_mem>>)
      %dma_wait3A_156 = arith.constant 0 : i32
      %dma_wait3A_157 = tpu.memref_slice %arg3[%mul3A_27, %dma_wait3A_156] : memref<264x128xi32, #tpu.memory_space<hbm>> -> memref<16x128xi32, #tpu.memory_space<hbm>>
      %dma_wait3A_158 = arith.constant 0 : i32
      %dma_wait3A_159 = tpu.memref_slice %arg3[%mul3A_27, %dma_wait3A_158] : memref<264x128xi32, #tpu.memory_space<hbm>> -> memref<16x128xi32, #tpu.memory_space<hbm>>
      tpu.wait_dma2 semaphore(%run_scoped3A : memref<!tpu.dma_semaphore, #tpu.memory_space<semaphore_mem>>) src(%dma_wait3A_159 : memref<16x128xi32, #tpu.memory_space<hbm>>) dst(%arg10 : memref<16x128xi32, #tpu.memory_space<vmem>>)
      tpu.yield
    }) : () -> ()
    %add3A_29 = arith.constant 0 : i32
    %add3A_30 = arith.addi %add3A_1, %add3A_29 : i32
    %dma_start3A = tpu.memref_slice %arg2[%add3A_30, %mul3A_3] : memref<32768x256xf32, #tpu.memory_space<hbm>> -> memref<128x128xf32, #tpu.memory_space<hbm>>
    %dma_start3A_31 = tpu.memref_slice %arg2[%add3A_30, %mul3A_3] : memref<32768x256xf32, #tpu.memory_space<hbm>> -> memref<128x128xf32, #tpu.memory_space<hbm>>
    tpu.enqueue_dma source(%dma_start3A_31 : memref<128x128xf32, #tpu.memory_space<hbm>>) target(%arg6 : memref<128x128xf32, #tpu.memory_space<vmem>>) target_semaphore(%arg12 : memref<!tpu.dma_semaphore, #tpu.memory_space<semaphore_mem>>)
    %add3A_32 = arith.constant 128 : i32
    %add3A_33 = arith.addi %add3A_1, %add3A_32 : i32
    %dma_start3A_34 = tpu.memref_slice %arg2[%add3A_33, %mul3A_3] : memref<32768x256xf32, #tpu.memory_space<hbm>> -> memref<128x128xf32, #tpu.memory_space<hbm>>
    %dma_start3A_35 = tpu.memref_slice %arg2[%add3A_33, %mul3A_3] : memref<32768x256xf32, #tpu.memory_space<hbm>> -> memref<128x128xf32, #tpu.memory_space<hbm>>
    tpu.enqueue_dma source(%dma_start3A_35 : memref<128x128xf32, #tpu.memory_space<hbm>>) target(%arg7 : memref<128x128xf32, #tpu.memory_space<vmem>>) target_semaphore(%arg13 : memref<!tpu.dma_semaphore, #tpu.memory_space<semaphore_mem>>)
    %barrier3A = arith.constant 0 : index
    tpu.barrier barrier_id(%barrier3A)
    %add3A_36 = arith.constant 256 : i32
    %add3A_37 = arith.addi %add3A_1, %add3A_36 : i32
    %dma_start3A_38 = tpu.memref_slice %arg2[%add3A_37, %mul3A_3] : memref<32768x256xf32, #tpu.memory_space<hbm>> -> memref<128x128xf32, #tpu.memory_space<hbm>>
    %dma_start3A_39 = tpu.memref_slice %arg2[%add3A_37, %mul3A_3] : memref<32768x256xf32, #tpu.memory_space<hbm>> -> memref<128x128xf32, #tpu.memory_space<hbm>>
    tpu.enqueue_dma source(%dma_start3A_39 : memref<128x128xf32, #tpu.memory_space<hbm>>) target(%arg8 : memref<128x128xf32, #tpu.memory_space<vmem>>) target_semaphore(%arg14 : memref<!tpu.dma_semaphore, #tpu.memory_space<semaphore_mem>>)
    %dma_wait3A = tpu.memref_slice %arg2[%add3A_30, %mul3A_3] : memref<32768x256xf32, #tpu.memory_space<hbm>> -> memref<128x128xf32, #tpu.memory_space<hbm>>
    %dma_wait3A_40 = tpu.memref_slice %arg2[%add3A_30, %mul3A_3] : memref<32768x256xf32, #tpu.memory_space<hbm>> -> memref<128x128xf32, #tpu.memory_space<hbm>>
    tpu.wait_dma2 semaphore(%arg12 : memref<!tpu.dma_semaphore, #tpu.memory_space<semaphore_mem>>) src(%dma_wait3A_40 : memref<128x128xf32, #tpu.memory_space<hbm>>) dst(%arg6 : memref<128x128xf32, #tpu.memory_space<vmem>>)
    %add3A_41 = arith.constant 0 : i32
    %add3A_42 = arith.addi %sub3A_28, %add3A_41 : i32
    %dma_start3A_43 = arith.constant 0 : i32
    %dma_start3A_44 = tpu.memref_slice %arg10[%add3A_42, %dma_start3A_43] : memref<16x128xi32, #tpu.memory_space<vmem>> -> memref<1x128xi32, #tpu.memory_space<vmem>>
    %dma_start3A_45 = tpu.memref_squeeze %dma_start3A_44 : memref<1x128xi32, #tpu.memory_space<vmem>> -> memref<128xi32, #tpu.memory_space<vmem>>
    %dma_start3A_46 = arith.constant 0 : i32
    %dma_start3A_47 = arith.constant 0 : i32
    %dma_start3A_48 = tpu.memref_slice %arg11[%dma_start3A_46, %dma_start3A_47] : memref<1024x128xf32, #tpu.memory_space<vmem_shared>> -> memref<1024x128xf32, #tpu.memory_space<vmem_shared>>
    tpu.enqueue_indirect_dma source(%arg6 : memref<128x128xf32, #tpu.memory_space<vmem>>) target(%dma_start3A_48 : memref<1024x128xf32, #tpu.memory_space<vmem_shared>>) offsets(%dma_start3A_45 : memref<128xi32, #tpu.memory_space<vmem>>) semaphore(%arg16 : memref<!tpu.dma_semaphore, #tpu.memory_space<semaphore_mem>>) {add = true}
    %add3A_49 = arith.constant 384 : i32
    %add3A_50 = arith.addi %add3A_1, %add3A_49 : i32
    %dma_start3A_51 = tpu.memref_slice %arg2[%add3A_50, %mul3A_3] : memref<32768x256xf32, #tpu.memory_space<hbm>> -> memref<128x128xf32, #tpu.memory_space<hbm>>
    %dma_start3A_52 = tpu.memref_slice %arg2[%add3A_50, %mul3A_3] : memref<32768x256xf32, #tpu.memory_space<hbm>> -> memref<128x128xf32, #tpu.memory_space<hbm>>
    tpu.enqueue_dma source(%dma_start3A_52 : memref<128x128xf32, #tpu.memory_space<hbm>>) target(%arg9 : memref<128x128xf32, #tpu.memory_space<vmem>>) target_semaphore(%arg15 : memref<!tpu.dma_semaphore, #tpu.memory_space<semaphore_mem>>)
    %dma_wait3A_53 = tpu.memref_slice %arg2[%add3A_33, %mul3A_3] : memref<32768x256xf32, #tpu.memory_space<hbm>> -> memref<128x128xf32, #tpu.memory_space<hbm>>
    %dma_wait3A_54 = tpu.memref_slice %arg2[%add3A_33, %mul3A_3] : memref<32768x256xf32, #tpu.memory_space<hbm>> -> memref<128x128xf32, #tpu.memory_space<hbm>>
    tpu.wait_dma2 semaphore(%arg13 : memref<!tpu.dma_semaphore, #tpu.memory_space<semaphore_mem>>) src(%dma_wait3A_54 : memref<128x128xf32, #tpu.memory_space<hbm>>) dst(%arg7 : memref<128x128xf32, #tpu.memory_space<vmem>>)
    %add3A_55 = arith.constant 1 : i32
    %add3A_56 = arith.addi %sub3A_28, %add3A_55 : i32
    %dma_start3A_57 = arith.constant 0 : i32
    %dma_start3A_58 = tpu.memref_slice %arg10[%add3A_56, %dma_start3A_57] : memref<16x128xi32, #tpu.memory_space<vmem>> -> memref<1x128xi32, #tpu.memory_space<vmem>>
    %dma_start3A_59 = tpu.memref_squeeze %dma_start3A_58 : memref<1x128xi32, #tpu.memory_space<vmem>> -> memref<128xi32, #tpu.memory_space<vmem>>
    %dma_start3A_60 = arith.constant 0 : i32
    %dma_start3A_61 = arith.constant 0 : i32
    %dma_start3A_62 = tpu.memref_slice %arg11[%dma_start3A_60, %dma_start3A_61] : memref<1024x128xf32, #tpu.memory_space<vmem_shared>> -> memref<1024x128xf32, #tpu.memory_space<vmem_shared>>
    tpu.enqueue_indirect_dma source(%arg7 : memref<128x128xf32, #tpu.memory_space<vmem>>) target(%dma_start3A_62 : memref<1024x128xf32, #tpu.memory_space<vmem_shared>>) offsets(%dma_start3A_59 : memref<128xi32, #tpu.memory_space<vmem>>) semaphore(%arg17 : memref<!tpu.dma_semaphore, #tpu.memory_space<semaphore_mem>>) {add = true}
    %dma_wait3A_63 = arith.constant 0 : i32
    %dma_wait3A_64 = tpu.memref_slice %arg10[%add3A_42, %dma_wait3A_63] : memref<16x128xi32, #tpu.memory_space<vmem>> -> memref<1x128xi32, #tpu.memory_space<vmem>>
    %dma_wait3A_65 = tpu.memref_squeeze %dma_wait3A_64 : memref<1x128xi32, #tpu.memory_space<vmem>> -> memref<128xi32, #tpu.memory_space<vmem>>
    %dma_wait3A_66 = arith.constant 0 : i32
    %dma_wait3A_67 = arith.constant 0 : i32
    %dma_wait3A_68 = tpu.memref_slice %arg11[%dma_wait3A_66, %dma_wait3A_67] : memref<1024x128xf32, #tpu.memory_space<vmem_shared>> -> memref<1024x128xf32, #tpu.memory_space<vmem_shared>>
    tpu.wait_indirect_dma semaphore(%arg16 : memref<!tpu.dma_semaphore, #tpu.memory_space<semaphore_mem>>) src(%arg6 : memref<128x128xf32, #tpu.memory_space<vmem>>) dst(%dma_wait3A_68 : memref<1024x128xf32, #tpu.memory_space<vmem_shared>>)
    %add3A_69 = arith.constant 512 : i32
    %add3A_70 = arith.addi %add3A_1, %add3A_69 : i32
    %dma_start3A_71 = tpu.memref_slice %arg2[%add3A_70, %mul3A_3] : memref<32768x256xf32, #tpu.memory_space<hbm>> -> memref<128x128xf32, #tpu.memory_space<hbm>>
    %dma_start3A_72 = tpu.memref_slice %arg2[%add3A_70, %mul3A_3] : memref<32768x256xf32, #tpu.memory_space<hbm>> -> memref<128x128xf32, #tpu.memory_space<hbm>>
    tpu.enqueue_dma source(%dma_start3A_72 : memref<128x128xf32, #tpu.memory_space<hbm>>) target(%arg6 : memref<128x128xf32, #tpu.memory_space<vmem>>) target_semaphore(%arg12 : memref<!tpu.dma_semaphore, #tpu.memory_space<semaphore_mem>>)
    %dma_wait3A_73 = tpu.memref_slice %arg2[%add3A_37, %mul3A_3] : memref<32768x256xf32, #tpu.memory_space<hbm>> -> memref<128x128xf32, #tpu.memory_space<hbm>>
    %dma_wait3A_74 = tpu.memref_slice %arg2[%add3A_37, %mul3A_3] : memref<32768x256xf32, #tpu.memory_space<hbm>> -> memref<128x128xf32, #tpu.memory_space<hbm>>
    tpu.wait_dma2 semaphore(%arg14 : memref<!tpu.dma_semaphore, #tpu.memory_space<semaphore_mem>>) src(%dma_wait3A_74 : memref<128x128xf32, #tpu.memory_space<hbm>>) dst(%arg8 : memref<128x128xf32, #tpu.memory_space<vmem>>)
    %add3A_75 = arith.constant 2 : i32
    %add3A_76 = arith.addi %sub3A_28, %add3A_75 : i32
    %dma_start3A_77 = arith.constant 0 : i32
    %dma_start3A_78 = tpu.memref_slice %arg10[%add3A_76, %dma_start3A_77] : memref<16x128xi32, #tpu.memory_space<vmem>> -> memref<1x128xi32, #tpu.memory_space<vmem>>
    %dma_start3A_79 = tpu.memref_squeeze %dma_start3A_78 : memref<1x128xi32, #tpu.memory_space<vmem>> -> memref<128xi32, #tpu.memory_space<vmem>>
    %dma_start3A_80 = arith.constant 0 : i32
    %dma_start3A_81 = arith.constant 0 : i32
    %dma_start3A_82 = tpu.memref_slice %arg11[%dma_start3A_80, %dma_start3A_81] : memref<1024x128xf32, #tpu.memory_space<vmem_shared>> -> memref<1024x128xf32, #tpu.memory_space<vmem_shared>>
    tpu.enqueue_indirect_dma source(%arg8 : memref<128x128xf32, #tpu.memory_space<vmem>>) target(%dma_start3A_82 : memref<1024x128xf32, #tpu.memory_space<vmem_shared>>) offsets(%dma_start3A_79 : memref<128xi32, #tpu.memory_space<vmem>>) semaphore(%arg18 : memref<!tpu.dma_semaphore, #tpu.memory_space<semaphore_mem>>) {add = true}
    %dma_wait3A_83 = arith.constant 0 : i32
    %dma_wait3A_84 = tpu.memref_slice %arg10[%add3A_56, %dma_wait3A_83] : memref<16x128xi32, #tpu.memory_space<vmem>> -> memref<1x128xi32, #tpu.memory_space<vmem>>
    %dma_wait3A_85 = tpu.memref_squeeze %dma_wait3A_84 : memref<1x128xi32, #tpu.memory_space<vmem>> -> memref<128xi32, #tpu.memory_space<vmem>>
    %dma_wait3A_86 = arith.constant 0 : i32
    %dma_wait3A_87 = arith.constant 0 : i32
    %dma_wait3A_88 = tpu.memref_slice %arg11[%dma_wait3A_86, %dma_wait3A_87] : memref<1024x128xf32, #tpu.memory_space<vmem_shared>> -> memref<1024x128xf32, #tpu.memory_space<vmem_shared>>
    tpu.wait_indirect_dma semaphore(%arg17 : memref<!tpu.dma_semaphore, #tpu.memory_space<semaphore_mem>>) src(%arg7 : memref<128x128xf32, #tpu.memory_space<vmem>>) dst(%dma_wait3A_88 : memref<1024x128xf32, #tpu.memory_space<vmem_shared>>)
    %add3A_89 = arith.constant 640 : i32
    %add3A_90 = arith.addi %add3A_1, %add3A_89 : i32
    %dma_start3A_91 = tpu.memref_slice %arg2[%add3A_90, %mul3A_3] : memref<32768x256xf32, #tpu.memory_space<hbm>> -> memref<128x128xf32, #tpu.memory_space<hbm>>
    %dma_start3A_92 = tpu.memref_slice %arg2[%add3A_90, %mul3A_3] : memref<32768x256xf32, #tpu.memory_space<hbm>> -> memref<128x128xf32, #tpu.memory_space<hbm>>
    tpu.enqueue_dma source(%dma_start3A_92 : memref<128x128xf32, #tpu.memory_space<hbm>>) target(%arg7 : memref<128x128xf32, #tpu.memory_space<vmem>>) target_semaphore(%arg13 : memref<!tpu.dma_semaphore, #tpu.memory_space<semaphore_mem>>)
    %dma_wait3A_93 = tpu.memref_slice %arg2[%add3A_50, %mul3A_3] : memref<32768x256xf32, #tpu.memory_space<hbm>> -> memref<128x128xf32, #tpu.memory_space<hbm>>
    %dma_wait3A_94 = tpu.memref_slice %arg2[%add3A_50, %mul3A_3] : memref<32768x256xf32, #tpu.memory_space<hbm>> -> memref<128x128xf32, #tpu.memory_space<hbm>>
    tpu.wait_dma2 semaphore(%arg15 : memref<!tpu.dma_semaphore, #tpu.memory_space<semaphore_mem>>) src(%dma_wait3A_94 : memref<128x128xf32, #tpu.memory_space<hbm>>) dst(%arg9 : memref<128x128xf32, #tpu.memory_space<vmem>>)
    %add3A_95 = arith.constant 3 : i32
    %add3A_96 = arith.addi %sub3A_28, %add3A_95 : i32
    %dma_start3A_97 = arith.constant 0 : i32
    %dma_start3A_98 = tpu.memref_slice %arg10[%add3A_96, %dma_start3A_97] : memref<16x128xi32, #tpu.memory_space<vmem>> -> memref<1x128xi32, #tpu.memory_space<vmem>>
    %dma_start3A_99 = tpu.memref_squeeze %dma_start3A_98 : memref<1x128xi32, #tpu.memory_space<vmem>> -> memref<128xi32, #tpu.memory_space<vmem>>
    %dma_start3A_100 = arith.constant 0 : i32
    %dma_start3A_101 = arith.constant 0 : i32
    %dma_start3A_102 = tpu.memref_slice %arg11[%dma_start3A_100, %dma_start3A_101] : memref<1024x128xf32, #tpu.memory_space<vmem_shared>> -> memref<1024x128xf32, #tpu.memory_space<vmem_shared>>
    tpu.enqueue_indirect_dma source(%arg9 : memref<128x128xf32, #tpu.memory_space<vmem>>) target(%dma_start3A_102 : memref<1024x128xf32, #tpu.memory_space<vmem_shared>>) offsets(%dma_start3A_99 : memref<128xi32, #tpu.memory_space<vmem>>) semaphore(%arg19 : memref<!tpu.dma_semaphore, #tpu.memory_space<semaphore_mem>>) {add = true}
    %dma_wait3A_103 = tpu.memref_slice %arg2[%add3A_70, %mul3A_3] : memref<32768x256xf32, #tpu.memory_space<hbm>> -> memref<128x128xf32, #tpu.memory_space<hbm>>
    %dma_wait3A_104 = tpu.memref_slice %arg2[%add3A_70, %mul3A_3] : memref<32768x256xf32, #tpu.memory_space<hbm>> -> memref<128x128xf32, #tpu.memory_space<hbm>>
    tpu.wait_dma2 semaphore(%arg12 : memref<!tpu.dma_semaphore, #tpu.memory_space<semaphore_mem>>) src(%dma_wait3A_104 : memref<128x128xf32, #tpu.memory_space<hbm>>) dst(%arg6 : memref<128x128xf32, #tpu.memory_space<vmem>>)
    %add3A_105 = arith.constant 4 : i32
    %add3A_106 = arith.addi %sub3A_28, %add3A_105 : i32
    %dma_start3A_107 = arith.constant 0 : i32
    %dma_start3A_108 = tpu.memref_slice %arg10[%add3A_106, %dma_start3A_107] : memref<16x128xi32, #tpu.memory_space<vmem>> -> memref<1x128xi32, #tpu.memory_space<vmem>>
    %dma_start3A_109 = tpu.memref_squeeze %dma_start3A_108 : memref<1x128xi32, #tpu.memory_space<vmem>> -> memref<128xi32, #tpu.memory_space<vmem>>
    %dma_start3A_110 = arith.constant 0 : i32
    %dma_start3A_111 = arith.constant 0 : i32
    %dma_start3A_112 = tpu.memref_slice %arg11[%dma_start3A_110, %dma_start3A_111] : memref<1024x128xf32, #tpu.memory_space<vmem_shared>> -> memref<1024x128xf32, #tpu.memory_space<vmem_shared>>
    tpu.enqueue_indirect_dma source(%arg6 : memref<128x128xf32, #tpu.memory_space<vmem>>) target(%dma_start3A_112 : memref<1024x128xf32, #tpu.memory_space<vmem_shared>>) offsets(%dma_start3A_109 : memref<128xi32, #tpu.memory_space<vmem>>) semaphore(%arg16 : memref<!tpu.dma_semaphore, #tpu.memory_space<semaphore_mem>>) {add = true}
    %dma_wait3A_113 = tpu.memref_slice %arg2[%add3A_90, %mul3A_3] : memref<32768x256xf32, #tpu.memory_space<hbm>> -> memref<128x128xf32, #tpu.memory_space<hbm>>
    %dma_wait3A_114 = tpu.memref_slice %arg2[%add3A_90, %mul3A_3] : memref<32768x256xf32, #tpu.memory_space<hbm>> -> memref<128x128xf32, #tpu.memory_space<hbm>>
    tpu.wait_dma2 semaphore(%arg13 : memref<!tpu.dma_semaphore, #tpu.memory_space<semaphore_mem>>) src(%dma_wait3A_114 : memref<128x128xf32, #tpu.memory_space<hbm>>) dst(%arg7 : memref<128x128xf32, #tpu.memory_space<vmem>>)
    %add3A_115 = arith.constant 5 : i32
    %add3A_116 = arith.addi %sub3A_28, %add3A_115 : i32
    %dma_start3A_117 = arith.constant 0 : i32
    %dma_start3A_118 = tpu.memref_slice %arg10[%add3A_116, %dma_start3A_117] : memref<16x128xi32, #tpu.memory_space<vmem>> -> memref<1x128xi32, #tpu.memory_space<vmem>>
    %dma_start3A_119 = tpu.memref_squeeze %dma_start3A_118 : memref<1x128xi32, #tpu.memory_space<vmem>> -> memref<128xi32, #tpu.memory_space<vmem>>
    %dma_start3A_120 = arith.constant 0 : i32
    %dma_start3A_121 = arith.constant 0 : i32
    %dma_start3A_122 = tpu.memref_slice %arg11[%dma_start3A_120, %dma_start3A_121] : memref<1024x128xf32, #tpu.memory_space<vmem_shared>> -> memref<1024x128xf32, #tpu.memory_space<vmem_shared>>
    tpu.enqueue_indirect_dma source(%arg7 : memref<128x128xf32, #tpu.memory_space<vmem>>) target(%dma_start3A_122 : memref<1024x128xf32, #tpu.memory_space<vmem_shared>>) offsets(%dma_start3A_119 : memref<128xi32, #tpu.memory_space<vmem>>) semaphore(%arg17 : memref<!tpu.dma_semaphore, #tpu.memory_space<semaphore_mem>>) {add = true}
    %dma_wait3A_123 = arith.constant 0 : i32
    %dma_wait3A_124 = tpu.memref_slice %arg10[%add3A_76, %dma_wait3A_123] : memref<16x128xi32, #tpu.memory_space<vmem>> -> memref<1x128xi32, #tpu.memory_space<vmem>>
    %dma_wait3A_125 = tpu.memref_squeeze %dma_wait3A_124 : memref<1x128xi32, #tpu.memory_space<vmem>> -> memref<128xi32, #tpu.memory_space<vmem>>
    %dma_wait3A_126 = arith.constant 0 : i32
    %dma_wait3A_127 = arith.constant 0 : i32
    %dma_wait3A_128 = tpu.memref_slice %arg11[%dma_wait3A_126, %dma_wait3A_127] : memref<1024x128xf32, #tpu.memory_space<vmem_shared>> -> memref<1024x128xf32, #tpu.memory_space<vmem_shared>>
    tpu.wait_indirect_dma semaphore(%arg18 : memref<!tpu.dma_semaphore, #tpu.memory_space<semaphore_mem>>) src(%arg8 : memref<128x128xf32, #tpu.memory_space<vmem>>) dst(%dma_wait3A_128 : memref<1024x128xf32, #tpu.memory_space<vmem_shared>>)
    %dma_wait3A_129 = arith.constant 0 : i32
    %dma_wait3A_130 = tpu.memref_slice %arg10[%add3A_96, %dma_wait3A_129] : memref<16x128xi32, #tpu.memory_space<vmem>> -> memref<1x128xi32, #tpu.memory_space<vmem>>
    %dma_wait3A_131 = tpu.memref_squeeze %dma_wait3A_130 : memref<1x128xi32, #tpu.memory_space<vmem>> -> memref<128xi32, #tpu.memory_space<vmem>>
    %dma_wait3A_132 = arith.constant 0 : i32
    %dma_wait3A_133 = arith.constant 0 : i32
    %dma_wait3A_134 = tpu.memref_slice %arg11[%dma_wait3A_132, %dma_wait3A_133] : memref<1024x128xf32, #tpu.memory_space<vmem_shared>> -> memref<1024x128xf32, #tpu.memory_space<vmem_shared>>
    tpu.wait_indirect_dma semaphore(%arg19 : memref<!tpu.dma_semaphore, #tpu.memory_space<semaphore_mem>>) src(%arg9 : memref<128x128xf32, #tpu.memory_space<vmem>>) dst(%dma_wait3A_134 : memref<1024x128xf32, #tpu.memory_space<vmem_shared>>)
    %dma_wait3A_135 = arith.constant 0 : i32
    %dma_wait3A_136 = tpu.memref_slice %arg10[%add3A_106, %dma_wait3A_135] : memref<16x128xi32, #tpu.memory_space<vmem>> -> memref<1x128xi32, #tpu.memory_space<vmem>>
    %dma_wait3A_137 = tpu.memref_squeeze %dma_wait3A_136 : memref<1x128xi32, #tpu.memory_space<vmem>> -> memref<128xi32, #tpu.memory_space<vmem>>
    %dma_wait3A_138 = arith.constant 0 : i32
    %dma_wait3A_139 = arith.constant 0 : i32
    %dma_wait3A_140 = tpu.memref_slice %arg11[%dma_wait3A_138, %dma_wait3A_139] : memref<1024x128xf32, #tpu.memory_space<vmem_shared>> -> memref<1024x128xf32, #tpu.memory_space<vmem_shared>>
    tpu.wait_indirect_dma semaphore(%arg16 : memref<!tpu.dma_semaphore, #tpu.memory_space<semaphore_mem>>) src(%arg6 : memref<128x128xf32, #tpu.memory_space<vmem>>) dst(%dma_wait3A_140 : memref<1024x128xf32, #tpu.memory_space<vmem_shared>>)
    %dma_wait3A_141 = arith.constant 0 : i32
    %dma_wait3A_142 = tpu.memref_slice %arg10[%add3A_116, %dma_wait3A_141] : memref<16x128xi32, #tpu.memory_space<vmem>> -> memref<1x128xi32, #tpu.memory_space<vmem>>
    %dma_wait3A_143 = tpu.memref_squeeze %dma_wait3A_142 : memref<1x128xi32, #tpu.memory_space<vmem>> -> memref<128xi32, #tpu.memory_space<vmem>>
    %dma_wait3A_144 = arith.constant 0 : i32
    %dma_wait3A_145 = arith.constant 0 : i32
    %dma_wait3A_146 = tpu.memref_slice %arg11[%dma_wait3A_144, %dma_wait3A_145] : memref<1024x128xf32, #tpu.memory_space<vmem_shared>> -> memref<1024x128xf32, #tpu.memory_space<vmem_shared>>
    tpu.wait_indirect_dma semaphore(%arg17 : memref<!tpu.dma_semaphore, #tpu.memory_space<semaphore_mem>>) src(%arg7 : memref<128x128xf32, #tpu.memory_space<vmem>>) dst(%dma_wait3A_146 : memref<1024x128xf32, #tpu.memory_space<vmem_shared>>)
    %barrier3A_147 = arith.constant 0 : index
    tpu.barrier barrier_id(%barrier3A_147)
    %mul3A_148 = arith.constant 64 : i32
    %mul3A_149 = arith.muli %arg1, %mul3A_148 : i32
    %mul3A_150 = arith.constant 64 : i32
    %mul3A_151 = arith.muli %arg1, %mul3A_150 : i32
    "tpu.region"() ({
      %run_scoped3A = tpu.sem_alloc : memref<!tpu.dma_semaphore, #tpu.memory_space<semaphore_mem>>
      %dma_start3A_152 = tpu.memref_slice %arg5[%mul3A_151, %mul3A_3] : memref<1024x256xf32, #tpu.memory_space<hbm>> -> memref<64x128xf32, #tpu.memory_space<hbm>>
      %dma_start3A_153 = arith.constant 0 : i32
      %dma_start3A_154 = tpu.memref_slice %arg11[%mul3A_149, %dma_start3A_153] : memref<1024x128xf32, #tpu.memory_space<vmem_shared>> -> memref<64x128xf32, #tpu.memory_space<vmem_shared>>
      tpu.enqueue_dma source(%dma_start3A_154 : memref<64x128xf32, #tpu.memory_space<vmem_shared>>) target(%dma_start3A_152 : memref<64x128xf32, #tpu.memory_space<hbm>>) target_semaphore(%run_scoped3A : memref<!tpu.dma_semaphore, #tpu.memory_space<semaphore_mem>>)
      %dma_wait3A_155 = tpu.memref_slice %arg5[%mul3A_151, %mul3A_3] : memref<1024x256xf32, #tpu.memory_space<hbm>> -> memref<64x128xf32, #tpu.memory_space<hbm>>
      %dma_wait3A_156 = arith.constant 0 : i32
      %dma_wait3A_157 = tpu.memref_slice %arg11[%mul3A_149, %dma_wait3A_156] : memref<1024x128xf32, #tpu.memory_space<vmem_shared>> -> memref<64x128xf32, #tpu.memory_space<vmem_shared>>
      tpu.wait_dma2 semaphore(%run_scoped3A : memref<!tpu.dma_semaphore, #tpu.memory_space<semaphore_mem>>) src(%dma_wait3A_157 : memref<64x128xf32, #tpu.memory_space<vmem_shared>>) dst(%dma_wait3A_155 : memref<64x128xf32, #tpu.memory_space<hbm>>)
      tpu.yield
    }) : () -> ()
    return
  }
}

module attributes {stable_mosaic.version = 14 : i64} {
  func.func @_mm_body(%arg0: i32, %arg1: memref<1x1x4096xi32, #tpu.memory_space<vmem>>, %arg2: memref<4096x256xf32, #tpu.memory_space<vmem>>, %arg3: memref<1024x256xf32, #tpu.memory_space<vmem>>) attributes {dimension_semantics = [#tpu.dimension_semantics<arbitrary>], iteration_bounds = array<i64: 5>, scalar_prefetch = 0 : i64, scratch_operands = 0 : i64, tpu.core_type = #tpu.core_type<tc>, window_params = [{transform_indices = @transform_0, window_bounds = array<i64: 1, 1, 4096>}, {transform_indices = @transform_1, window_bounds = array<i64: 4096, 256>}, {pipeline_mode = #tpu.pipeline_mode<synchronous>, transform_indices = @transform_2, window_bounds = array<i64: 1024, 256>}]} {
    %eq3A = arith.constant 0 : i32
    %eq3A_0 = arith.cmpi eq, %arg0, %eq3A : i32
    %convert_element_type3A = arith.extui %eq3A_0 : i1 to i32
    %cond3A = arith.constant 0 : i32
    %cond3A_1 = arith.cmpi ne, %convert_element_type3A, %cond3A : i32
    scf.if %cond3A_1 {
      %broadcast_in_dim3A_22 = arith.constant 0.000000e+00 : f32
      %broadcast_in_dim3A_23 = vector.broadcast %broadcast_in_dim3A_22 : f32 to vector<1024x256xf32>
      %swap3A_24 = arith.constant 0 : index
      %swap3A_25 = arith.constant 0 : index
      %swap3A_26 = vector.load %arg3[%swap3A_24, %swap3A_25] : memref<1024x256xf32, #tpu.memory_space<vmem>>, vector<1024x256xf32>
      tpu.vector_store %arg3[%swap3A_24, %swap3A_25], %broadcast_in_dim3A_23 {strides = array<i32>} : memref<1024x256xf32, #tpu.memory_space<vmem>>, vector<1024x256xf32>,
    } else {
    }
    %get3A = arith.constant 0 : index
    %get3A_2 = arith.constant 0 : index
    %get3A_3 = arith.constant 0 : index
    %get3A_4 = vector.load %arg1[%get3A, %get3A_2, %get3A_3] : memref<1x1x4096xi32, #tpu.memory_space<vmem>>, vector<1x1x4096xi32>
    %get3A_5 = vector.shape_cast %get3A_4 : vector<1x1x4096xi32> to vector<4096xi32>
    %convert_element_type3A_6 = arith.trunci %get3A_5 : vector<4096xi32> to vector<4096xi16>
    %iota3A = tpu.iota {dimensions = array<i32: 0>} : vector<1024x4096xi16>
    %broadcast_in_dim3A = vector.shape_cast %convert_element_type3A_6 : vector<4096xi16> to vector<1x4096xi16>
    %eq3A_7 = vector.broadcast %broadcast_in_dim3A : vector<1x4096xi16> to vector<1024x4096xi16>
    %eq3A_8 = arith.cmpi eq, %iota3A, %eq3A_7 : vector<1024x4096xi16>
    %jit3A = arith.constant 1.000000e+00 : bf16
    %jit3A_9 = arith.constant 0.000000e+00 : bf16
    %broadcast_in_dim3A_10 = vector.broadcast %jit3A : bf16 to vector<1024x4096xbf16>
    %broadcast_in_dim3A_11 = vector.broadcast %jit3A_9 : bf16 to vector<1024x4096xbf16>
    %select_n3A = arith.select %eq3A_8, %broadcast_in_dim3A_10, %broadcast_in_dim3A_11 : vector<1024x4096xi1>, vector<1024x4096xbf16>
    %get3A_12 = arith.constant 0 : index
    %get3A_13 = arith.constant 0 : index
    %get3A_14 = vector.load %arg3[%get3A_12, %get3A_13] : memref<1024x256xf32, #tpu.memory_space<vmem>>, vector<1024x256xf32>
    %get3A_15 = arith.constant 0 : index
    %get3A_16 = arith.constant 0 : index
    %get3A_17 = vector.load %arg2[%get3A_15, %get3A_16] : memref<4096x256xf32, #tpu.memory_space<vmem>>, vector<4096x256xf32>
    %convert_element_type3A_18 = arith.truncf %get3A_17 : vector<4096x256xf32> to vector<4096x256xbf16>
    %dot_general3A = arith.constant dense<0.000000e+00> : vector<1024x256xf32>
    %dot_general3A_19 = tpu.matmul %select_n3A, %convert_element_type3A_18, %dot_general3A {dimension_numbers = #tpu.dot_dimension_numbers<[1], [0], [0], [1], [0, 0, 1, 1], [], []>, transpose_lhs_hint = false} : vector<1024x4096xbf16>, vector<4096x256xbf16>, vector<1024x256xf32> -> vector<1024x256xf32>
    %add3A = arith.addf %get3A_14, %dot_general3A_19 : vector<1024x256xf32>
    %swap3A = arith.constant 0 : index
    %swap3A_20 = arith.constant 0 : index
    %swap3A_21 = vector.load %arg3[%swap3A, %swap3A_20] : memref<1024x256xf32, #tpu.memory_space<vmem>>, vector<1024x256xf32>
    tpu.vector_store %arg3[%swap3A, %swap3A_20], %add3A {strides = array<i32>} : memref<1024x256xf32, #tpu.memory_space<vmem>>, vector<1024x256xf32>,
    return
  }
  func.func @transform_0(%arg0: i32) -> (i32, i32, i32) {
    %c0_i32 = arith.constant 0 : i32
    %c0_i32_0 = arith.constant 0 : i32
    %c0_i32_1 = arith.constant 0 : i32
    return %arg0, %c0_i32, %c0_i32_0 : i32, i32, i32
  }
  func.func @transform_1(%arg0: i32) -> (i32, i32) {
    %c0_i32 = arith.constant 0 : i32
    %c0_i32_0 = arith.constant 0 : i32
    return %arg0, %c0_i32 : i32, i32
  }
  func.func @transform_2(%arg0: i32) -> (i32, i32) {
    %c0_i32 = arith.constant 0 : i32
    %c0_i32_0 = arith.constant 0 : i32
    %c0_i32_1 = arith.constant 0 : i32
    return %c0_i32, %c0_i32_0 : i32, i32
  }
}

module attributes {stable_mosaic.version = 14 : i64} {
  func.func @_add_body(%arg0: memref<1024x256xf32, #tpu.memory_space<vmem>>, %arg1: memref<1024x256xf32, #tpu.memory_space<vmem>>, %arg2: memref<1024x256xf32, #tpu.memory_space<vmem>>) attributes {dimension_semantics = [], scalar_prefetch = 0 : i64, scratch_operands = 0 : i64, tpu.core_type = #tpu.core_type<tc>} {
    %get3A = arith.constant 0 : index
    %get3A_0 = arith.constant 0 : index
    %get3A_1 = vector.load %arg0[%get3A, %get3A_0] : memref<1024x256xf32, #tpu.memory_space<vmem>>, vector<1024x256xf32>
    %get3A_2 = arith.constant 0 : index
    %get3A_3 = arith.constant 0 : index
    %get3A_4 = vector.load %arg1[%get3A_2, %get3A_3] : memref<1024x256xf32, #tpu.memory_space<vmem>>, vector<1024x256xf32>
    %add3A = arith.addf %get3A_1, %get3A_4 : vector<1024x256xf32>
    %swap3A = arith.constant 0 : index
    %swap3A_5 = arith.constant 0 : index
    %swap3A_6 = vector.load %arg2[%swap3A, %swap3A_5] : memref<1024x256xf32, #tpu.memory_space<vmem>>, vector<1024x256xf32>
    tpu.vector_store %arg2[%swap3A, %swap3A_5], %add3A {strides = array<i32>} : memref<1024x256xf32, #tpu.memory_space<vmem>>, vector<1024x256xf32>,
    return
  }
}

</mosaic_0001>

<sc_bundles>
// kernel: kernel.5.cloned.1.call-start
scs
__scs_entry_jumppad:
0x0: {  	(pc) =	sbr.rel $0x88, $3  }
0x1: {  	(tag) =	ssettag $0x0;
	lr =	simm.s32 $0x1  }
0x2: {  	[smem:$0x3F9F] =	sst lr;
	_ =	strace $0xD0000000  }
0x3: {  	_ = 	snop  }
0x4: {  	_ = 	snop  }
0x5: {  	_ = 	snop  }
0x6: {  	_ = 	snop  }
0x7: {  	_ = 	snop  }
__scs_overlays_trampoline_lowered:
0x8: {  	[smem:$0x3FAE] =	sst s0  }
0x9: {  	[smem:$0x3FAF] =	sst s1  }
0xa: {  	[smem:$0x3FB0] =	sst s2  }
0xb: {  	[smem:$0x3FB1] =	sst s3  }
0xc: {  	[smem:$0x3FB2] =	sst s4  }
0xd: {  	[smem:$0x3FB3] =	sst s5  }
0xe: {  	[smem:$0x3FB4] =	sst s6  }
0xf: {  	[smem:$0x3FB5] =	sst s7  }
0x10: {  	[smem:$0x3FB6] =	sst s8  }
0x11: {  	[smem:$0x3FB7] =	sst s9;
	s0 =	simm.s32 @!p0 $0x0  }
0x12: {  	s1 =	sld [smem:$0x3F9D];
	s0 =	simm.s32 @p0 $0x1  }
0x13: {  	[smem:$0x3FB8] =	sst s0;
	s0 =	simm.s32 @!p1 $0x0  }
0x14: {  	s2 =	sld [smem:$0x3F9C];
	s0 =	simm.s32 @p1 $0x1  }
0x15: {  	[smem:$0x3FB9] =	sst s0;
	s0 =	simm.s32 @!p2 $0x0  }
0x16: {  	s3 =	sld [smem:$0x3FDB];
	s0 =	simm.s32 @p2 $0x1  }
0x17: {  	s4 =	simm.s32 $0x1BF5;
	[smem:$0x3FBB] =	sst s0  }
0x18: {  	s0 =	sld [smem:$0x3F9E];
	_ =	swait.ge [sflag:s4], $0x0  }
0x19: {  	s7 =	sld [smem:$0x3F9F]  }
0x1a: {  	s8 =	sadd.s32 $0xFFFFE003, lr  }
0x1b: {  	s9 =	sadd.s32 $0xFFFFFEF7, lr;
	s5 =	simm.s32 $0xFFFFFFFF;
	p2 =	slt.u32 s8, $0xFFFFF086  }
0x1c: {  	p1 =	slt.u32 s9, $0xF7A;
	s5 =	simm.s32 @!p2 $0x0  }
0x1d: {  	s5 =	simm.s32 @p1 $0x1;
	p0 =	seq.s32 s7, s2  }
0x1e: {  	s7 =	smul.u32 @!p0 $0xF7A, s2;
	p2 =	seq.s32 @!p0 s5, $0x0  }
0x1f: {  	s9 =	smul.u32 $0xF7A, s1;
	s8 =	simm.s32 @!p0 $0x1BF5;
	p2 =	por !p2, p0  }
0x20: {  	[sflag:s8] =	ssyncset.s32 @!p0 $0xFFFFF086;
	s6 =	sadd.s32 @!p0 s3, s7;
	s7 =	simm.s32 @!p0 $0x108  }
0x21: {  	s3 =	sadd.s32 s3, s9;
	s6 =	sadd.s32 @!p0 $0x88, s6;
	s7 =	simm.s32 @p2 $0x1082  }
0x22: {  	[simem:s7], [sflag:s8] =	dma.local @!p0 [hbm:s6], $0xF7A  }
0x23: {  	s9 =	sor.u32 $0xD0000000, s2;
	s6 =	simm.s32 $0x108;
	_ =	swait.ge @!p0 [sflag:s8], $0x0  }
0x24: {  	s3 =	sadd.s32 $0x88, s3;
	s6 =	simm.s32 @!p1 $0x1082;
	[sflag:s4] =	ssyncset.s32 $0xFFFFF086  }
0x25: {  	[simem:s6], [sflag:s4] =	dma.local [hbm:s3], $0xF7A  }
0x26: {  	[smem:$0x3F9F] =	sst s1;
	(tag) =	ssettag s2;
	_ =	strace s9  }
0x27: {  	s1 =	sld [smem:$0x3FAF]  }
0x28: {  	s2 =	sld [smem:$0x3FB0]  }
0x29: {  	s4 =	sld [smem:$0x3FB2]  }
0x2a: {  	p0 =	seq.s32 s5, $0x0;
	s5 =	sld [smem:$0x3FB3]  }
0x2b: {  	s6 =	sld [smem:$0x3FB4]  }
0x2c: {  	s7 =	sld [smem:$0x3FB5]  }
0x2d: {  	s3 =	simm.s32 $0x108;
	s8 =	sld [smem:$0x3FB6]  }
0x2e: {  	s3 =	simm.s32 @!p0 $0x1082;
	s9 =	sld [smem:$0x3FB7]  }
0x2f: {  	lr =	sadd.s32 s0, s3;
	s0 =	sld [smem:$0x3FAE]  }
0x30: {  	s3 =	sld [smem:$0x3FB1]  }
0x31: {  	[smem:$0x3FBA] =	sst s10  }
0x32: {  	s10 =	sld [smem:$0x3FB8];
	_ =	sdelay $0x3  }
0x33: {  	p0 =	seq.s32 s10, $0x1;
	s10 =	sld [smem:$0x3FBA];
	_ =	sdelay $0x3  }
0x34: {  	[smem:$0x3FBA] =	sst s10  }
0x35: {  	s10 =	sld [smem:$0x3FB9];
	_ =	sdelay $0x3  }
0x36: {  	p1 =	seq.s32 s10, $0x1;
	s10 =	sld [smem:$0x3FBA];
	_ =	sdelay $0x3  }
0x37: {  	[smem:$0x3FBA] =	sst s10  }
0x38: {  	s10 =	sld [smem:$0x3FBB]  }
0x39: {  	_ = 	snop;
	(pc) =	sbr.ind lr, $3  }
0x3a: {  	_ = 	snop  }
0x3b: {  	_ = 	snop  }
0x3c: {  	p2 =	seq.s32 s10, $0x1;
	s10 =	sld [smem:$0x3FBA]  }
0x3d: {  	_ =	shalt  }
0x3e: {  	_ =	shalt  }
0x3f: {  	_ =	shalt  }
0x40: {  	_ =	shalt  }
0x41: {  	_ =	shalt  }
0x42: {  	_ =	shalt  }
0x43: {  	_ =	shalt  }
0x44: {  	_ =	shalt  }
0x45: {  	_ =	shalt  }
0x46: {  	_ =	shalt  }
0x47: {  	_ =	shalt  }
0x48: {  	_ =	shalt  }
0x49: {  	_ =	shalt  }
0x4a: {  	_ =	shalt  }
0x4b: {  	_ =	shalt  }
0x4c: {  	_ =	shalt  }
0x4d: {  	_ =	shalt  }
0x4e: {  	_ =	shalt  }
0x4f: {  	_ =	shalt  }
0x50: {  	_ =	shalt  }
0x51: {  	_ =	shalt  }
0x52: {  	_ =	shalt  }
0x53: {  	_ =	shalt  }
0x54: {  	_ =	shalt  }
0x55: {  	_ =	shalt  }
0x56: {  	_ =	shalt  }
0x57: {  	_ =	shalt  }
0x58: {  	_ =	shalt  }
0x59: {  	_ =	shalt  }
0x5a: {  	_ =	shalt  }
0x5b: {  	_ =	shalt  }
0x5c: {  	_ =	shalt  }
0x5d: {  	_ =	shalt  }
0x5e: {  	_ =	shalt  }
0x5f: {  	_ =	shalt  }
0x60: {  	_ =	shalt  }
0x61: {  	_ =	shalt  }
0x62: {  	_ =	shalt  }
0x63: {  	_ =	shalt  }
0x64: {  	_ =	shalt  }
0x65: {  	_ =	shalt  }
0x66: {  	_ =	shalt  }
0x67: {  	_ =	shalt  }
0x68: {  	_ =	shalt  }
0x69: {  	_ =	shalt  }
0x6a: {  	_ =	shalt  }
0x6b: {  	_ =	shalt  }
0x6c: {  	_ =	shalt  }
0x6d: {  	_ =	shalt  }
0x6e: {  	_ =	shalt  }
0x6f: {  	_ =	shalt  }
0x70: {  	_ =	shalt  }
0x71: {  	_ =	shalt  }
0x72: {  	_ =	shalt  }
0x73: {  	_ =	shalt  }
0x74: {  	_ =	shalt  }
0x75: {  	_ =	shalt  }
0x76: {  	_ =	shalt  }
0x77: {  	_ =	shalt  }
0x78: {  	_ =	shalt  }
0x79: {  	_ =	shalt  }
0x7a: {  	_ =	shalt  }
0x7b: {  	_ =	shalt  }
0x7c: {  	_ =	shalt  }
0x7d: {  	_ =	shalt  }
0x7e: {  	_ =	shalt  }
0x7f: {  	_ =	shalt  }
0x80: {  	_ =	shalt  }
0x81: {  	_ =	shalt  }
0x82: {  	_ =	shalt  }
0x83: {  	_ =	shalt  }
0x84: {  	_ =	shalt  }
0x85: {  	_ =	shalt  }
0x86: {  	_ =	shalt  }
0x87: {  	_ =	shalt  }
.Lfunc_end0:
.L_simem_size_0:
called_computation_lowered:
.L_overlay_start_0:
0x88: {  	s2 =	sld [smem:$0x3FD9]  }
0x89: {  	s3 =	sld [smem:$0x3FFE];
	_ =	sdelay $0x1  }
0x8a: {  	s1 =	srdreg.scid  }
0x8b: {  	s0 =	sand.u32 $0x1, s1  }
0x8c: {  	s17 =	sshll.u32 s0, $0xA;
	s2 =	sadd.s32 s3, s2  }
0x8d: {  	s2 =	sadd.s32 s2, s17  }
0x8e: {  	[smem:$0x3FC6] =	sst s2  }
0x8f: {  	_ = 	snop  }
0x90: {  	s2 =	sld [smem:$0x3FC9]  }
0x91: {  	s18 =	sld [smem:$0x3FD0];
	(tm) =	ssettm $0x1  }
0x92: {  	s4 =	sld [smem:$0x3FFB];
	_ =	sdelay $0x3  }
0x93: {  	_ =	strace s4  }
0x94: {  	s4 =	sld [smem:$0x3FFC];
	_ =	sdelay $0x3  }
0x95: {  	_ =	strace s4  }
0x96: {  	s4 =	sld [smem:$0x3FFD];
	_ =	sdelay $0x3  }
0x97: {  	_ =	strace s4  }
0x98: {  	_ =	strace $0x8FFFFFFF  }
0x99: {  	s19 =	sld [smem:$0x3FDB];
	_ =	sdelay $0x1  }
0x9a: {  	s5 =	simm.s32 $_scs_section_size  }
0x9b: {  	s6 =	simm.s32 $_size__tile_overlayer_lowered;
	s7 =	simm.s32 $_tile_overlayer_lowered  }
0x9c: {  	s22 =	simm.s32 $0x1BFF;
	s21 =	sshll.u32 s7, $0x1;
	s4 =	sadd.s32 s5, s19  }
0x9d: {  	s8 =	simm.s32 $0x0;
	s20 =	sshll.u32 s6, $0x1;
	s6 =	sadd.s32 s21, s4  }
0x9e: {  	[timem:s8], [sflag:s22] =	dma.local [hbm:s6], s20  }
0x9f: {  	_ =	swait.ge [sflag:s22], s20  }
0xa0: {  	s5 =	ssub.s32 $0x0, s20;
	[sflag:s22] =	ssyncset.done $0x0  }
0xa1: {  	[sflag:s22] =	ssyncadd.s32 s5;
	_ =	sdelay $0x1  }
0xa2: {  	s23 =	simm.s32 $0x1B8B  }
0xa3: {  	_ =	swait.ge [sflag:s23], $0x1  }
0xa4: {  	[sflag:s23] =	ssyncset.done $0x0  }
0xa5: {  	s25 =	simm.s32 $0x1B8E;
	s24 =	sld [smem:$0x3FFE];
	[sflag:s23] =	ssyncadd.s32 $0xFFFFFFFF  }
0xa6: {  	s26 =	simm.s32 $execute0_lowered;
	[smem:$0x3FD2] =	sst s25  }
0xa7: {  	s6 =	sshll.u32 s26, $0x1;
	_ =	strace $0x80000046;
	[dreg:$0x1] =	wrdreg $0xFFFFFFFF  }
0xa8: {  	s28 =	simm.s32 $_size_execute0_lowered;
	s4 =	sadd.s32 s4, s6;
	[dreg:$0x0] =	wrdreg $0x0  }
0xa9: {  	s6 =	sshll.u32 s28, $0x1;
	[dreg:$0x2] =	wrdreg s4  }
0xaa: {  	[dreg:$0x3] =	wrdreg s6  }
0xab: {  	[dreg:$0x4] =	wrdreg $0xC0  }
0xac: {  	_ =	task [dreg:s8], $0x5FFFF  }
0xad: {  	[dreg:$0x1] =	wrdreg $0xFFFFFFFF  }
0xae: {  	[dreg:$0x0] =	wrdreg $0x60  }
0xaf: {  	[dreg:$0x2] =	wrdreg s2  }
0xb0: {  	[dreg:$0x3] =	wrdreg s24  }
0xb1: {  	[dreg:$0x4] =	wrdreg s18  }
0xb2: {  	[dreg:$0x5] =	wrdreg $0x108000  }
0xb3: {  	[dreg:$0x6] =	wrdreg $0x9  }
0xb4: {  	_ =	task.clear_ibuf [dreg:s8], $0x7FFFF;
	_ =	strace $0x90000046  }
0xb5: {  	s29 =	simm.s32 $0x9;
	_ =	strace $0x80000048  }
0xb6: {  	_ =	swait.ge [sflag:s29], $0x1  }
0xb7: {  	[sflag:s29] =	ssyncadd.s32 $0xFFFFFFFF  }
0xb8: {  	_ =	strace $0x90000048  }
0xb9: {  	_ =	sfence  }
0xba: {  	s30 =	sld [smem:$0x0];
	_ =	sdelay $0x2  }
0xbb: {  	s31 =	sshll.u32 s1, $0xD;
	s1 =	sshrl.u32 s1, $0x2  }
0xbc: {  	s3 =	sand.u32 $0x4000, s31;
	s1 =	sadd.s32 s1, s30  }
0xbd: {  	s0 =	sor.u32 s3, s0;
	s1 =	sshll.u32 s1, $0x11  }
0xbe: {  	s0 =	sor.u32 s1, s0  }
0xbf: {  	s0 =	sadd.s32 $0x8F2B, s0  }
0xc0: {  	[sflag:s0] =	ssyncadd.remote.s32 $0x1  }
0xc1: {  	_ =	sfence.sel $0xFFFF  }
0xc2: {  	[dreg:$0x0] =	wrdreg $0xFFFFFFFF;
	(pc) =	sbr.abs _section_cstart, $3  }
0xc3: {  	[dreg:$0x1] =	wrdreg $0xFFFFFFFF  }
0xc4: {  	_ =	task.clear_ibuf [dreg:s8], $0x2FFFF;
	_ =	strace $0x9FFFFFFF  }
0xc5: {  	(tm) =	ssettm $0x7FFFFFFF  }
tec
execute0_lowered:
.L_overlay_start_1:
0x0: {  	(tag) =	ssettag $0x1  }
0x1: {  	s0 =	rddreg [dreg:$0x0]  }
0x2: {  	s1 =	rddreg [dreg:$0x1]  }
0x3: {  	s5 =	rddreg [dreg:$0x2]  }
0x4: {  	s2 =	rddreg [dreg:$0x3]  }
0x5: {  	s13 =	stileid.u32;
	s18 =	rddreg [dreg:$0x4];
	s3 =	simm.s32 $0x0  }
0x6: {  	s6 =	srdreg.scid;
	s28 =	simm.s32 $0x8000;
	p0 =	por $0x0, $0x0  }
0x7: {  	s30 =	simm.s32 $0x3;
	s29 =	simm.s32 $0x4;
	s31 =	simm.s32 $0x100  }
0x8: {  	s4 =	smul.u32 $0x60, s13;
	[smem:$0x7FF] =	sst s3;
	s6 =	sand.u32 $0x1, s6  }
0x9: {  	s7 =	smul.u32 $0x30000, s13;
	s9 =	sshll.u32 s13, $0xD;
	s26 =	sshll.u32 s13, $0x6  }
0xa: {  	s22 =	sshll.u32 s13, $0xE;
	_ =	strace $0x80000047;
	s24 =	ssub.s32 $0x2, s6  }
0xb: {  	s6 =	sshll.u32 s6, $0xA;
	s25 =	sadd.s32 s9, s2;
	s4 =	sadd.s32 $0xA00, s4  }
0xc: {  	s8 =	sshrl.u32 s24, $0x1;
	s7 =	sor.u32 s6, s7;
	s23 =	sor.u32 s6, s22  }
0xd: {  	s6 =	simm.s32 $0x9;
	s22 =	simm.s32 $0x1;
	s4 =	sand.u32 $0x1F80, s4  }
0xe: {  	s10 =	sadd.s32 $0x500000, s7;
	s11 =	sadd.s32 $0x508000, s7;
	s14 =	sadd.s32 $0x510000, s7  }
0xf: {  	s17 =	sadd.s32 $0x518000, s7;
	s20 =	sadd.s32 $0x520000, s7;
	s7 =	sadd.s32 $0x528000, s7  }
0x10: {  	s4 =	sadd.s32 s4, s1;
	s1 =	sadd.s32 $0x1A00, s1;
	s10 =	sshrl.u32 s10, $0x3  }
0x11: {  	s15 =	sshrl.u32 s14, $0x3;
	s21 =	sshrl.u32 s20, $0x3;
	s7 =	sshrl.u32 s7, $0x3  }
0x12: {  	s14 =	simm.s32 $0x6;
	[dreg:$0x5] =	wrdreg s1;
	s4 =	sadd.s32 $0x800, s4  }
0x13: {  	s1 =	ssub.s32 s24, s8;
	s8 =	simm.s32 $0x80;
	[dreg:$0x6] =	wrdreg s4  }
0x14: {  	s4 =	sadd.s32 s0, s10;
	s10 =	sshrl.u32 s11, $0x3;
	s11 =	smul.u32 $0xC00, s13  }
0x15: {  	s13 =	sadd.s32 s0, s7;
	s24 =	smax.u32 s1, $0x1;
	s1 =	rddreg [dreg:$0x5]  }
0x16: {  	s7 =	sshrl.u32 s25, $0x3;
	s25 =	simm.s32 $0x800;
	[dreg:$0x7] =	wrdreg s4  }
0x17: {  	s12 =	sadd.s32 s0, s10;
	s4 =	sadd.s32 s0, s15;
	s10 =	sshrl.u32 s17, $0x3  }
0x18: {  	p1 =	sne.s32 s24, $0x1;
	s17 =	simm.s32 $0x8;
	[dreg:$0x8] =	wrdreg s12  }
0x19: {  	s16 =	sand.u32 $0xC00, s11;
	[dreg:$0x9] =	wrdreg s4;
	s10 =	sadd.s32 s0, s10  }
0x1a: {  	s4 =	sor.u32 $0x1C09, s26;
	s26 =	simm.s32 $0xC000;
	s12 =	sshrl.u32 s16, $0x2  }
0x1b: {  	[dreg:$0xb] =	wrdreg s10;
	s16 =	simm.s32 $0x4000;
	s19 =	sor.u32 $0x10000, s12  }
.Ltmp0:
0x1c: {  	s20 =	sor.u32 $0x10080, s12;
	s15 =	sadd.s32 $0x10100, s12;
	(pc) =	sbr.rel @!p1 .LBB2_1-.Ltmp0, $4  }
0x1d: {  	s11 =	sadd.s32 $0x10180, s12;
	s10 =	sadd.s32 $0x10200, s12;
	s9 =	sadd.s32 $0x10280, s12  }
0x1e: {  	s12 =	simm.s32 $0x5;
	[dreg:$0xa] =	wrdreg s19;
	s19 =	sadd.s32 s0, s21  }
0x1f: {  	s0 =	sshrl.u32 s23, $0x3;
	s23 =	simm.s32 $0x400;
	s21 =	simm.s32 $0x2  }
0x20: {  	s5 =	sadd.s32 s5, s0;
	s0 =	sadd.s32 $0xFFFFFFFF, s24;
	s24 =	simm.s32 $0x7  }
0x21: {  	[spmem:s7], [sflag:s4] =	dma.local [hbm:s1], $0x400  }
0x22: {  	_ =	swait.ge [sflag:s6], $0x400  }
0x23: {  	s18 =	smov.u32 s0;
	[sflag:s6] =	ssyncset.done $0x0  }
0x24: {  	s0 =	simm.s32 $0x10000;
	s1 =	rddreg [dreg:$0x6];
	[sflag:s6] =	ssyncadd.s32 $0xFFFFFC00  }
0x25: {  	[tilespmem:s0], [sflag:$0x9] =	stream.linear.gather [hbm4b:s1+s3], $0x800, $0x38;
	[tilespmem:$0x12800] =	vst v63  }
0x26: {  	_ =	swait.ge [sflag:s6], $0x800  }
0x27: {  	[sflag:s6] =	ssyncset.done $0x0  }
0x28: {  	s1 =	rddreg [dreg:$0x7];
	[sflag:s6] =	ssyncadd.s32 $0xFFFFF800  }
0x29: {  	[tilespmem:s3], [sflag:$0x1] =	stream.strided.gather [hbm4b:s1+s23], $0x4000, s25, s23, $0x38;
	[tilespmem:$0x12800] =	vst v63  }
0x2a: {  	s0 =	rddreg [dreg:$0x8]  }
0x2b: {  	[tilespmem:s16], [sflag:$0x2] =	stream.strided.gather [hbm4b:s0+s23], $0x4000, s25, s23, $0x38;
	[tilespmem:$0x12800] =	vst v63  }
0x2c: {  	[bflag:$0x0] =	sbarrier.arrive $0xFFFF  }
0x2d: {  	s1 =	rddreg [dreg:$0x9]  }
0x2e: {  	[tilespmem:s28], [sflag:$0x3] =	stream.strided.gather [hbm4b:s1+s23], $0x4000, s25, s23, $0x38;
	[tilespmem:$0x12800] =	vst v63  }
0x2f: {  	_ =	swait.ge [sflag:s22], $0x4000  }
0x30: {  	[sflag:s22] =	ssyncset.done $0x0  }
0x31: {  	s0 =	rddreg [dreg:$0xa];
	[sflag:s22] =	ssyncadd.s32 $0xFFFFC000  }
0x32: {  	[spmem:s2] =	stream.indirect.scatter.add.f32 [tilespmem:s3], [sflag:$0x5], $0x80, s0, s8, $0xb8;
	[tilespmem:$0x12800] =	vst v63  }
0x33: {  	s1 =	rddreg [dreg:$0xb]  }
0x34: {  	[tilespmem:s26], [sflag:$0x4] =	stream.strided.gather [hbm4b:s1+s23], $0x4000, s25, s23, $0x38;
	[tilespmem:$0x12800] =	vst v63  }
0x35: {  	_ =	swait.ge [sflag:s21], $0x4000  }
0x36: {  	[sflag:s21] =	ssyncset.done $0x0  }
0x37: {  	[sflag:s21] =	ssyncadd.s32 $0xFFFFC000  }
0x38: {  	[spmem:s2] =	stream.indirect.scatter.add.f32 [tilespmem:s16], [sflag:$0x6], $0x80, s20, s8, $0xb8;
	[tilespmem:$0x12800] =	vst v63  }
0x39: {  	_ =	swait.ge [sflag:s12], $0x4000  }
0x3a: {  	[sflag:s12] =	ssyncset.done $0x0  }
0x3b: {  	[sflag:s12] =	ssyncadd.s32 $0xFFFFC000  }
0x3c: {  	[tilespmem:s3], [sflag:$0x1] =	stream.strided.gather [hbm4b:s19+s23], $0x4000, s25, s23, $0x38;
	[tilespmem:$0x12800] =	vst v63  }
0x3d: {  	_ =	swait.ge [sflag:s30], $0x4000  }
0x3e: {  	[sflag:s30] =	ssyncset.done $0x0  }
0x3f: {  	[sflag:s30] =	ssyncadd.s32 $0xFFFFC000  }
0x40: {  	[spmem:s2] =	stream.indirect.scatter.add.f32 [tilespmem:s28], [sflag:$0x7], $0x80, s15, s8, $0xb8;
	[tilespmem:$0x12800] =	vst v63  }
0x41: {  	_ =	swait.ge [sflag:s14], $0x4000  }
0x42: {  	[sflag:s14] =	ssyncset.done $0x0  }
0x43: {  	[sflag:s14] =	ssyncadd.s32 $0xFFFFC000  }
0x44: {  	[tilespmem:s16], [sflag:$0x2] =	stream.strided.gather [hbm4b:s13+s23], $0x4000, s25, s23, $0x38;
	[tilespmem:$0x12800] =	vst v63  }
0x45: {  	_ =	swait.ge [sflag:s29], $0x4000  }
0x46: {  	[sflag:s29] =	ssyncset.done $0x0  }
0x47: {  	[sflag:s29] =	ssyncadd.s32 $0xFFFFC000  }
0x48: {  	[spmem:s2] =	stream.indirect.scatter.add.f32 [tilespmem:s26], [sflag:$0x8], $0x80, s11, s8, $0xb8;
	[tilespmem:$0x12800] =	vst v63  }
0x49: {  	_ =	swait.ge [sflag:s22], $0x4000  }
0x4a: {  	[sflag:s22] =	ssyncset.done $0x0  }
0x4b: {  	[sflag:s22] =	ssyncadd.s32 $0xFFFFC000  }
0x4c: {  	[spmem:s2] =	stream.indirect.scatter.add.f32 [tilespmem:s3], [sflag:$0x5], $0x80, s10, s8, $0xb8;
	[tilespmem:$0x12800] =	vst v63  }
0x4d: {  	_ =	swait.ge [sflag:s21], $0x4000  }
0x4e: {  	[sflag:s21] =	ssyncset.done $0x0  }
0x4f: {  	[sflag:s21] =	ssyncadd.s32 $0xFFFFC000  }
0x50: {  	[spmem:s2] =	stream.indirect.scatter.add.f32 [tilespmem:s16], [sflag:$0x6], $0x80, s9, s8, $0xb8;
	[tilespmem:$0x12800] =	vst v63  }
0x51: {  	_ =	swait.ge [sflag:s24], $0x4000  }
0x52: {  	[sflag:s24] =	ssyncset.done $0x0  }
0x53: {  	[sflag:s24] =	ssyncadd.s32 $0xFFFFC000  }
0x54: {  	_ =	swait.ge [sflag:s17], $0x4000  }
0x55: {  	[sflag:s17] =	ssyncset.done $0x0  }
0x56: {  	[sflag:s17] =	ssyncadd.s32 $0xFFFFC000  }
0x57: {  	_ =	swait.ge [sflag:s12], $0x4000  }
0x58: {  	[sflag:s12] =	ssyncset.done $0x0  }
0x59: {  	[sflag:s12] =	ssyncadd.s32 $0xFFFFC000  }
0x5a: {  	_ =	swait.ge [sflag:s14], $0x4000  }
0x5b: {  	p1 =	sne.s32 s18, $0x1;
	[sflag:s14] =	ssyncset.done $0x0  }
.Ltmp1:
0x5c: {  	[sflag:s14] =	ssyncadd.s32 $0xFFFFC000;
	(pc) =	sbr.rel @!p1 .LBB2_3-.Ltmp1, $4  }
0x5d: {  	[bflag:$0x0] =	sbarrier.arrive $0xFFFF  }
0x5e: {  	[hbm:s5@s31], [sflag:s4] =	dma.strided [spmem:s7@s8], $0x400, s17, $0x10   }
0x5f: {  	p0 =	por $0x1, $0x1;
	_ =	swait.ge [sflag:s6], $0x400  }
0x60: {  	s0 =	sadd.s32 $0xFFFFFFFF, s18;
	s1 =	rddreg [dreg:$0x5];
	[sflag:s6] =	ssyncset.done $0x0  }
.LBB2_4:
0x61: {  	[sflag:s6] =	ssyncadd.s32 $0xFFFFFC00  }
0x62: {  	[spmem:s7], [sflag:s4] =	dma.local [hbm:s1], $0x400  }
0x63: {  	_ =	swait.ge [sflag:s6], $0x400  }
0x64: {  	[sflag:s6] =	ssyncset.done $0x0  }
0x65: {  	s18 =	simm.s32 $0x10000;
	s1 =	rddreg [dreg:$0x6];
	[sflag:s6] =	ssyncadd.s32 $0xFFFFFC00  }
0x66: {  	[tilespmem:s18], [sflag:$0x9] =	stream.linear.gather [hbm4b:s1+s3], $0x800, $0x38;
	[tilespmem:$0x12800] =	vst v63  }
0x67: {  	_ =	swait.ge [sflag:s6], $0x800  }
0x68: {  	[sflag:s6] =	ssyncset.done $0x0  }
0x69: {  	s1 =	rddreg [dreg:$0x7];
	[sflag:s6] =	ssyncadd.s32 $0xFFFFF800  }
0x6a: {  	[tilespmem:s3], [sflag:$0x1] =	stream.strided.gather [hbm4b:s1+s23], $0x4000, s25, s23, $0x38;
	[tilespmem:$0x12800] =	vst v63  }
0x6b: {  	s18 =	rddreg [dreg:$0x8]  }
0x6c: {  	[tilespmem:s16], [sflag:$0x2] =	stream.strided.gather [hbm4b:s18+s23], $0x4000, s25, s23, $0x38;
	[tilespmem:$0x12800] =	vst v63  }
0x6d: {  	[bflag:$0x0] =	sbarrier.arrive $0xFFFF  }
0x6e: {  	s18 =	rddreg [dreg:$0x9]  }
0x6f: {  	[tilespmem:s28], [sflag:$0x3] =	stream.strided.gather [hbm4b:s18+s23], $0x4000, s25, s23, $0x38;
	[tilespmem:$0x12800] =	vst v63  }
0x70: {  	_ =	swait.ge [sflag:s22], $0x4000  }
0x71: {  	[sflag:s22] =	ssyncset.done $0x0  }
0x72: {  	s1 =	rddreg [dreg:$0xa];
	[sflag:s22] =	ssyncadd.s32 $0xFFFFC000  }
0x73: {  	[spmem:s2] =	stream.indirect.scatter.add.f32 [tilespmem:s3], [sflag:$0x5], $0x80, s1, s8, $0xb8;
	[tilespmem:$0x12800] =	vst v63  }
0x74: {  	s18 =	rddreg [dreg:$0xb]  }
0x75: {  	[tilespmem:s26], [sflag:$0x4] =	stream.strided.gather [hbm4b:s18+s23], $0x4000, s25, s23, $0x38;
	[tilespmem:$0x12800] =	vst v63  }
0x76: {  	_ =	swait.ge [sflag:s21], $0x4000  }
0x77: {  	[sflag:s21] =	ssyncset.done $0x0  }
0x78: {  	[sflag:s21] =	ssyncadd.s32 $0xFFFFC000  }
0x79: {  	[spmem:s2] =	stream.indirect.scatter.add.f32 [tilespmem:s16], [sflag:$0x6], $0x80, s20, s8, $0xb8;
	[tilespmem:$0x12800] =	vst v63  }
0x7a: {  	_ =	swait.ge [sflag:s12], $0x4000  }
0x7b: {  	[sflag:s12] =	ssyncset.done $0x0  }
0x7c: {  	[sflag:s12] =	ssyncadd.s32 $0xFFFFC000  }
0x7d: {  	[tilespmem:s3], [sflag:$0x1] =	stream.strided.gather [hbm4b:s19+s23], $0x4000, s25, s23, $0x38;
	[tilespmem:$0x12800] =	vst v63  }
0x7e: {  	_ =	swait.ge [sflag:s30], $0x4000  }
0x7f: {  	[sflag:s30] =	ssyncset.done $0x0  }
0x80: {  	[sflag:s30] =	ssyncadd.s32 $0xFFFFC000  }
0x81: {  	[spmem:s2] =	stream.indirect.scatter.add.f32 [tilespmem:s28], [sflag:$0x7], $0x80, s15, s8, $0xb8;
	[tilespmem:$0x12800] =	vst v63  }
0x82: {  	_ =	swait.ge [sflag:s14], $0x4000  }
0x83: {  	[sflag:s14] =	ssyncset.done $0x0  }
0x84: {  	[sflag:s14] =	ssyncadd.s32 $0xFFFFC000  }
0x85: {  	[tilespmem:s16], [sflag:$0x2] =	stream.strided.gather [hbm4b:s13+s23], $0x4000, s25, s23, $0x38;
	[tilespmem:$0x12800] =	vst v63  }
0x86: {  	_ =	swait.ge [sflag:s29], $0x4000  }
0x87: {  	[sflag:s29] =	ssyncset.done $0x0  }
0x88: {  	[sflag:s29] =	ssyncadd.s32 $0xFFFFC000  }
0x89: {  	[spmem:s2] =	stream.indirect.scatter.add.f32 [tilespmem:s26], [sflag:$0x8], $0x80, s11, s8, $0xb8;
	[tilespmem:$0x12800] =	vst v63  }
0x8a: {  	_ =	swait.ge [sflag:s22], $0x4000  }
0x8b: {  	[sflag:s22] =	ssyncset.done $0x0  }
0x8c: {  	[sflag:s22] =	ssyncadd.s32 $0xFFFFC000  }
0x8d: {  	[spmem:s2] =	stream.indirect.scatter.add.f32 [tilespmem:s3], [sflag:$0x5], $0x80, s10, s8, $0xb8;
	[tilespmem:$0x12800] =	vst v63  }
0x8e: {  	_ =	swait.ge [sflag:s21], $0x4000  }
0x8f: {  	[sflag:s21] =	ssyncset.done $0x0  }
0x90: {  	[sflag:s21] =	ssyncadd.s32 $0xFFFFC000  }
0x91: {  	[spmem:s2] =	stream.indirect.scatter.add.f32 [tilespmem:s16], [sflag:$0x6], $0x80, s9, s8, $0xb8;
	[tilespmem:$0x12800] =	vst v63  }
0x92: {  	_ =	swait.ge [sflag:s24], $0x4000  }
0x93: {  	[sflag:s24] =	ssyncset.done $0x0  }
0x94: {  	[sflag:s24] =	ssyncadd.s32 $0xFFFFC000  }
0x95: {  	_ =	swait.ge [sflag:s17], $0x4000  }
0x96: {  	[sflag:s17] =	ssyncset.done $0x0  }
0x97: {  	[sflag:s17] =	ssyncadd.s32 $0xFFFFC000  }
0x98: {  	_ =	swait.ge [sflag:s12], $0x4000  }
0x99: {  	[sflag:s12] =	ssyncset.done $0x0  }
0x9a: {  	[sflag:s12] =	ssyncadd.s32 $0xFFFFC000  }
0x9b: {  	_ =	swait.ge [sflag:s14], $0x4000  }
0x9c: {  	p1 =	sne.s32 s0, $0x1;
	[sflag:s14] =	ssyncset.done $0x0  }
.Ltmp2:
0x9d: {  	[sflag:s14] =	ssyncadd.s32 $0xFFFFC000;
	(pc) =	sbr.rel @p1 .LBB2_4-.Ltmp2, $4  }
0x9e: {  	[bflag:$0x0] =	sbarrier.arrive $0xFFFF  }
0x9f: {  	[hbm:s5@s31], [sflag:s4] =	dma.strided [spmem:s7@s8], $0x400, s17, $0x10   }
0xa0: {  	_ =	swait.ge [sflag:s6], $0x400  }
0xa1: {  	s0 =	sadd.s32 $0xFFFFFFFF, s0;
	s1 =	rddreg [dreg:$0x5];
	[sflag:s6] =	ssyncset.done $0x0  }
0xa2: {  	s31 =	simm.s32 $0x10000;
	s18 =	rddreg [dreg:$0x4]  }
.LBB2_6:
0xa3: {  	[sflag:s6] =	ssyncadd.s32 @p0 $0xFFFFFC00  }
0xa4: {  	[spmem:s7], [sflag:s4] =	dma.local [hbm:s1], $0x400  }
0xa5: {  	_ =	swait.ge [sflag:s6], $0x400  }
0xa6: {  	[sflag:s6] =	ssyncset.done $0x0  }
0xa7: {  	s0 =	rddreg [dreg:$0x6];
	[sflag:s6] =	ssyncadd.s32 $0xFFFFFC00  }
0xa8: {  	[tilespmem:s31], [sflag:$0x9] =	stream.linear.gather [hbm4b:s0+s3], $0x800, $0x38;
	[tilespmem:$0x12800] =	vst v63  }
0xa9: {  	_ =	swait.ge [sflag:s6], $0x800  }
0xaa: {  	[sflag:s6] =	ssyncset.done $0x0  }
0xab: {  	s1 =	rddreg [dreg:$0x7];
	[sflag:s6] =	ssyncadd.s32 $0xFFFFF800  }
0xac: {  	[tilespmem:s3], [sflag:$0x1] =	stream.strided.gather [hbm4b:s1+s23], $0x4000, s25, s23, $0x38;
	[tilespmem:$0x12800] =	vst v63  }
0xad: {  	s31 =	rddreg [dreg:$0x8]  }
0xae: {  	[tilespmem:s16], [sflag:$0x2] =	stream.strided.gather [hbm4b:s31+s23], $0x4000, s25, s23, $0x38;
	[tilespmem:$0x12800] =	vst v63  }
0xaf: {  	[bflag:$0x0] =	sbarrier.arrive $0xFFFF  }
0xb0: {  	s31 =	rddreg [dreg:$0x9]  }
0xb1: {  	[tilespmem:s28], [sflag:$0x3] =	stream.strided.gather [hbm4b:s31+s23], $0x4000, s25, s23, $0x38;
	[tilespmem:$0x12800] =	vst v63  }
0xb2: {  	_ =	swait.ge [sflag:s22], $0x4000  }
0xb3: {  	[sflag:s22] =	ssyncset.done $0x0  }
0xb4: {  	s1 =	rddreg [dreg:$0xa];
	[sflag:s22] =	ssyncadd.s32 $0xFFFFC000  }
0xb5: {  	[spmem:s2] =	stream.indirect.scatter.add.f32 [tilespmem:s3], [sflag:$0x5], $0x80, s1, s8, $0xb8;
	[tilespmem:$0x12800] =	vst v63  }
0xb6: {  	s31 =	rddreg [dreg:$0xb]  }
0xb7: {  	[tilespmem:s26], [sflag:$0x4] =	stream.strided.gather [hbm4b:s31+s23], $0x4000, s25, s23, $0x38;
	[tilespmem:$0x12800] =	vst v63  }
0xb8: {  	_ =	swait.ge [sflag:s21], $0x4000  }
0xb9: {  	[sflag:s21] =	ssyncset.done $0x0  }
0xba: {  	[sflag:s21] =	ssyncadd.s32 $0xFFFFC000  }
0xbb: {  	[spmem:s2] =	stream.indirect.scatter.add.f32 [tilespmem:s16], [sflag:$0x6], $0x80, s20, s8, $0xb8;
	[tilespmem:$0x12800] =	vst v63  }
0xbc: {  	_ =	swait.ge [sflag:s12], $0x4000  }
0xbd: {  	[sflag:s12] =	ssyncset.done $0x0  }
0xbe: {  	[sflag:s12] =	ssyncadd.s32 $0xFFFFC000  }
0xbf: {  	[tilespmem:s3], [sflag:$0x1] =	stream.strided.gather [hbm4b:s19+s23], $0x4000, s25, s23, $0x38;
	[tilespmem:$0x12800] =	vst v63  }
0xc0: {  	_ =	swait.ge [sflag:s30], $0x4000  }
0xc1: {  	[sflag:s30] =	ssyncset.done $0x0  }
0xc2: {  	[sflag:s30] =	ssyncadd.s32 $0xFFFFC000  }
0xc3: {  	[spmem:s2] =	stream.indirect.scatter.add.f32 [tilespmem:s28], [sflag:$0x7], $0x80, s15, s8, $0xb8;
	[tilespmem:$0x12800] =	vst v63  }
0xc4: {  	_ =	swait.ge [sflag:s14], $0x4000  }
0xc5: {  	[sflag:s14] =	ssyncset.done $0x0  }
0xc6: {  	[sflag:s14] =	ssyncadd.s32 $0xFFFFC000  }
0xc7: {  	[tilespmem:s16], [sflag:$0x2] =	stream.strided.gather [hbm4b:s13+s23], $0x4000, s25, s23, $0x38;
	[tilespmem:$0x12800] =	vst v63  }
0xc8: {  	_ =	swait.ge [sflag:s29], $0x4000  }
0xc9: {  	[sflag:s29] =	ssyncset.done $0x0  }
0xca: {  	[sflag:s29] =	ssyncadd.s32 $0xFFFFC000  }
0xcb: {  	[spmem:s2] =	stream.indirect.scatter.add.f32 [tilespmem:s26], [sflag:$0x8], $0x80, s11, s8, $0xb8;
	[tilespmem:$0x12800] =	vst v63  }
0xcc: {  	_ =	swait.ge [sflag:s22], $0x4000  }
0xcd: {  	[sflag:s22] =	ssyncset.done $0x0  }
0xce: {  	[sflag:s22] =	ssyncadd.s32 $0xFFFFC000  }
0xcf: {  	[spmem:s2] =	stream.indirect.scatter.add.f32 [tilespmem:s3], [sflag:$0x5], $0x80, s10, s8, $0xb8;
	[tilespmem:$0x12800] =	vst v63  }
0xd0: {  	_ =	swait.ge [sflag:s21], $0x4000  }
0xd1: {  	[sflag:s21] =	ssyncset.done $0x0  }
0xd2: {  	[sflag:s21] =	ssyncadd.s32 $0xFFFFC000  }
0xd3: {  	[spmem:s2] =	stream.indirect.scatter.add.f32 [tilespmem:s16], [sflag:$0x6], $0x80, s9, s8, $0xb8;
	[tilespmem:$0x12800] =	vst v63  }
0xd4: {  	_ =	swait.ge [sflag:s24], $0x4000  }
0xd5: {  	[sflag:s24] =	ssyncset.done $0x0  }
0xd6: {  	[sflag:s24] =	ssyncadd.s32 $0xFFFFC000  }
0xd7: {  	_ =	swait.ge [sflag:s17], $0x4000  }
0xd8: {  	[sflag:s17] =	ssyncset.done $0x0  }
0xd9: {  	[sflag:s17] =	ssyncadd.s32 $0xFFFFC000  }
0xda: {  	_ =	swait.ge [sflag:s12], $0x4000  }
0xdb: {  	[sflag:s12] =	ssyncset.done $0x0  }
0xdc: {  	[sflag:s12] =	ssyncadd.s32 $0xFFFFC000  }
0xdd: {  	_ =	swait.ge [sflag:s14], $0x4000  }
0xde: {  	[sflag:s14] =	ssyncset.done $0x0  }
0xdf: {  	[sflag:s14] =	ssyncadd.s32 $0xFFFFC000  }
0xe0: {  	s30 =	simm.s32 $0x100;
	[bflag:$0x0] =	sbarrier.arrive $0xFFFF  }
0xe1: {  	[hbm:s5@s30], [sflag:s4] =	dma.strided [spmem:s7@s8], $0x400, s17, $0x10   }
0xe2: {  	_ =	swait.ge [sflag:s6], $0x400  }
0xe3: {  	[sflag:s6] =	ssyncset.done $0x0  }
0xe4: {  	[sflag:s6] =	ssyncadd.s32 $0xFFFFFC00  }
0xe5: {  	_ =	sfence.sel $0x180000  }
0xe6: {  	s31 =	stileid.u32;
	[bflag:$0x0] =	sbarrier.arrive $0xFFFF  }
0xe7: {  	p0 =	sne.s32 s31, $0x0;
	_ =	strace $0x90000047  }
0xe8: {  	s0 =	sadd.s32 @!p0 $0x100000, s18;
	[bflag:$0x2] =	sbarrier.arrive $0xFFFF  }
0xe9: {  	[sflag:s0] =	ssyncadd.tile.s32 @!p0 $0x1;
	_ =	shalt  }
.LBB2_1:
.Ltmp3:
0xea: {  	(pc) =	sbr.rel .LBB2_6-.Ltmp3, $2  }
0xeb: {  	_ =	sdelay $0x2  }
0xec: {  	s31 =	simm.s32 $0x10000  }
.LBB2_3:
.Ltmp4:
0xed: {  	(pc) =	sbr.rel .LBB2_6-.Ltmp4, $2  }
0xee: {  	_ =	sdelay $0x2  }
0xef: {  	s31 =	simm.s32 $0x10000;
	s18 =	rddreg [dreg:$0x4]  }
.Lfunc_end2:
_tile_overlayer_lowered:
.L_overlay_start_2:
0xf0: {  	(tag) =	ssettag $0x2  }
0xf1: {  	s0 =	rddreg [dreg:$0x0];
	s2 =	stileid.u32  }
0xf2: {  	s1 =	rddreg [dreg:$0x1];
	p0 =	sne.s32 s2, $0x0  }
0xf3: {  	s3 =	rddreg [dreg:$0x2];
	[bflag:$0x3] =	sbarrier.arrive $0xFFFF;
	s2 =	simm.s32 @!p0 $0x1C09  }
0xf4: {  	[timem:s3], [sflag:s2] =	dma.local @!p0 [hbm:s0], s1  }
0xf5: {  	s0 =	simm.s32 @!p0 $0x9  }
0xf6: {  	_ =	swait.ge @!p0 [sflag:s0], s1  }
0xf7: {  	s1 =	ssub.s32 @!p0 $0x0, s1;
	[sflag:s0] =	ssyncset.done @!p0 $0x0  }
0xf8: {  	[sflag:s0] =	ssyncadd.s32 @!p0 s1  }
0xf9: {  	[bflag:$0x3] =	sbarrier.arrive $0xFFFF  }
0xfa: {  	_ =	shalt  }

</sc_bundles>
